<compile_context>
chip_gen: v7x
topology: tpu7x:2x2x1
jax: 0.10.2.dev20260603
libtpu: 0.0.44.dev20260713+nightly
codegen_flags: <defaults>
</compile_context>

<pallas_src>
import functools

import jax
import jax.numpy as jnp
from jax import lax
from jax.experimental import pallas as pl
from jax.experimental.pallas import tpu as pltpu
from jax.experimental.pallas import tpu_sc as plsc

B, H, L, D = 8, 4, 2048, 128
NROWS = 4 * B * H
R = 4 * B * H * L
NC, NS = 2, 16
NW = NC * NS
ROWS_PER_W = NROWS // NW


def _memset_body(out_ref):
    out_ref[...] = jnp.zeros_like(out_ref)


def _sc_scatter_body(kn0, vn0, kn1, vn1, idx_hbm, out_ref, idx_v, rows_v,
                     sem_i, sem_r):
    wid = lax.axis_index("s") * NC + lax.axis_index("c")
    c = wid // B
    b = wid % B
    c_idx = pltpu.make_async_copy(idx_hbm.at[wid], idx_v, sem_i)
    c_idx.start()
    for ci, new in enumerate((kn0, vn0, kn1, vn1)):
        @pl.when(c == ci)
        def _(new=new):
            pltpu.async_copy(new.at[b], rows_v, sem_r).wait()
    c_idx.wait()
    pltpu.async_copy(rows_v, out_ref.at[idx_v], sem_r).wait()


_sc_scatter = functools.partial(
    pl.kernel,
    mesh=plsc.VectorSubcoreMesh(core_axis_name="c", subcore_axis_name="s"),
    scratch_types=[
        pltpu.VMEM((ROWS_PER_W,), jnp.int32),
        pltpu.VMEM((H, 1, D), jnp.float32),
        pltpu.SemaphoreType.DMA,
        pltpu.SemaphoreType.DMA,
    ],
)(_sc_scatter_body)


def kernel(k_cache_0, v_cache_0, k_cache_1, v_cache_1, k_new_0, v_new_0,
           k_new_1, v_new_1, seq_ids, position_ids, is_for_context_encoding,
           seq_len):
    zeros = pl.pallas_call(
        _memset_body,
        grid=(B, H),
        out_specs=pl.BlockSpec((4, 1, 1, L, D), lambda b, h: (0, b, h, 0, 0)),
        out_shape=jax.ShapeDtypeStruct((4, B, H, L, D), jnp.float32),
    )()

    pos = position_ids[:, 0].astype(jnp.int32)
    r = jnp.arange(NROWS, dtype=jnp.int32)
    b_of_r = (r // H) % B
    idx = (r * L + pos[b_of_r]).reshape(NW, ROWS_PER_W)

    out_ref = jax.new_ref(zeros.reshape(R, 1, D))
    _sc_scatter(k_new_0, v_new_0, k_new_1, v_new_1, idx, out_ref)
    return out_ref[...].reshape(4, B, H, L, D)

# --- scband reference (transcript-rebuilt; emitter-appended) ---
"""Pipeline reference for scband-kvcache-manager-8864812499506 (READ-ONLY COPY).

The authoritative reference and input builder live on the scoring server;
editing this copy changes nothing except your own understanding.
"""

import jax, jax.numpy as jnp
import numpy as np

B, H, L, D, T = 8, 4, 2048, 128, 1


def _scatter_update(cache, latest, pos):
    # Equivalent of torch.scatter(cache, dim=2, index=pos expanded to latest.shape, src=latest)
    Bq, Hq, Tq, Dq = latest.shape
    bb = jnp.arange(Bq).reshape(Bq, 1, 1, 1)
    hh = jnp.arange(Hq).reshape(1, Hq, 1, 1)
    ll = pos.reshape(Bq, 1, Tq, 1)
    dd = jnp.arange(Dq).reshape(1, 1, 1, Dq)
    return cache.at[bb, hh, ll, dd].set(latest)


def setup_inputs(seed: int = 0):
    key = jax.random.key(seed)
    ks = jax.random.split(key, 6)
    inp = {}
    # module parameters: past_key_values for num_hidden_layers=2 (K and V per layer)
    inp["k_cache_0"] = jnp.zeros((B, H, L, D), jnp.float32)
    inp["v_cache_0"] = jnp.zeros((B, H, L, D), jnp.float32)
    inp["k_cache_1"] = jnp.zeros((B, H, L, D), jnp.float32)
    inp["v_cache_1"] = jnp.zeros((B, H, L, D), jnp.float32)
    # new_key_values from current decode step (q_len = 1)
    inp["k_new_0"] = jax.random.normal(ks[0], (B, H, T, D), jnp.float32)
    inp["v_new_0"] = jax.random.normal(ks[1], (B, H, T, D), jnp.float32)
    inp["k_new_1"] = jax.random.normal(ks[2], (B, H, T, D), jnp.float32)
    inp["v_new_1"] = jax.random.normal(ks[3], (B, H, T, D), jnp.float32)
    inp["seq_ids"] = jax.random.randint(ks[4], (B,), 0, B, dtype=jnp.int32)
    inp["position_ids"] = jax.random.randint(ks[5], (B, T), 0, L, dtype=jnp.int32)
    inp["is_for_context_encoding"] = 0
    inp["seq_len"] = L
    return inp


def reference(k_cache_0, v_cache_0, k_cache_1, v_cache_1, k_new_0, v_new_0, k_new_1, v_new_1, seq_ids, position_ids, is_for_context_encoding, seq_len):
    # update_cache decode path (is_for_context_encoding == False):
    # scatter_index = position_ids.view(-1,1,T,1).expand_as(latest); torch.scatter dim=2
    pos = position_ids
    k0 = _scatter_update(k_cache_0, k_new_0, pos)
    v0 = _scatter_update(v_cache_0, v_new_0, pos)
    k1 = _scatter_update(k_cache_1, k_new_1, pos)
    v1 = _scatter_update(v_cache_1, v_new_1, pos)
    # returned as stacked [k0, v0, k1, v1] (updated_kv_cache list in torch)
    return jnp.stack([k0, v0, k1, v1], axis=0)

if __name__ == "__main__":
    import jax
    _d = setup_inputs()
    print(jax.jit(kernel)(*tuple(_d.values())))

</pallas_src>

<mosaic_0001>
#map = affine_map<(d0, d1) -> (0, 0, 0, 0)>
#map1 = affine_map<(d0, d1) -> (0, 0)>
#map2 = affine_map<(d0, d1) -> (0, 0, 0)>
module attributes {stable_mosaic.version = 14 : i64} {
  func.func @new_body(%arg0: i32, %arg1: i32, %arg2: memref<8x4x1x128xf32, #tpu.memory_space<hbm>>, %arg3: memref<8x4x1x128xf32, #tpu.memory_space<hbm>>, %arg4: memref<8x4x1x128xf32, #tpu.memory_space<hbm>>, %arg5: memref<8x4x1x128xf32, #tpu.memory_space<hbm>>, %arg6: memref<32x4xi32, #tpu.memory_space<hbm>>, %arg7: memref<262144x1x128xf32, #tpu.memory_space<hbm>>, %arg8: memref<262144x1x128xf32, #tpu.memory_space<hbm>>, %arg9: memref<4xi32, #tpu.memory_space<vmem>>, %arg10: memref<4x1x128xf32, #tpu.memory_space<vmem>>, %arg11: memref<!tpu.dma_semaphore, #tpu.memory_space<semaphore_mem>>, %arg12: memref<!tpu.dma_semaphore, #tpu.memory_space<semaphore_mem>>) attributes {dimension_semantics = [#tpu.dimension_semantics<core_parallel>, #tpu.dimension_semantics<subcore_parallel>], iteration_bounds = array<i64: 2, 16>, scalar_prefetch = 0 : i64, scratch_operands = 4 : i64, tpu.core_type = #tpu.core_type<sc_vector_subcore>, window_params = [{transform_indices = #map}, {transform_indices = #map}, {transform_indices = #map}, {transform_indices = #map}, {transform_indices = #map1}, {transform_indices = #map2}, {transform_indices = #map2}]} {
    %mul3A = arith.constant 2 : i32
    %mul3A_0 = arith.muli %arg1, %mul3A : i32
    %add3A = arith.addi %mul3A_0, %arg0 : i32
    %jit3A = arith.constant 8 : i32
    %div3A = arith.divsi %add3A, %jit3A : i32
    %sign3A = arith.constant 0 : i32
    %sign3A_1 = arith.cmpi sgt, %add3A, %sign3A : i32
    %sign3A_2 = arith.extui %sign3A_1 : i1 to i32
    %sign3A_3 = arith.constant 0 : i32
    %sign3A_4 = arith.cmpi slt, %add3A, %sign3A_3 : i32
    %sign3A_5 = arith.extui %sign3A_4 : i1 to i32
    %sign3A_6 = arith.subi %sign3A_2, %sign3A_5 : i32
    %sign3A_7 = arith.constant 0 : i32
    %sign3A_8 = arith.cmpi sgt, %jit3A, %sign3A_7 : i32
    %sign3A_9 = arith.extui %sign3A_8 : i1 to i32
    %sign3A_10 = arith.constant 0 : i32
    %sign3A_11 = arith.cmpi slt, %jit3A, %sign3A_10 : i32
    %sign3A_12 = arith.extui %sign3A_11 : i1 to i32
    %sign3A_13 = arith.subi %sign3A_9, %sign3A_12 : i32
    %ne3A = arith.cmpi ne, %sign3A_6, %sign3A_13 : i32
    %rem3A = arith.remsi %add3A, %jit3A : i32
    %ne3A_14 = arith.constant 0 : i32
    %ne3A_15 = arith.cmpi ne, %rem3A, %ne3A_14 : i32
    %and3A = arith.andi %ne3A, %ne3A_15 : i1
    %sub3A = arith.constant 1 : i32
    %sub3A_16 = arith.subi %div3A, %sub3A : i32
    %select_n3A = arith.select %and3A, %sub3A_16, %div3A : i32
    %jit3A_17 = arith.constant 8 : i32
    %eq3A = arith.constant 0 : i32
    %eq3A_18 = arith.cmpi eq, %jit3A_17, %eq3A : i32
    %jit3A_19 = arith.constant 1 : i32
    %select_n3A_20 = arith.select %eq3A_18, %jit3A_19, %jit3A_17 : i32
    %rem3A_21 = arith.remsi %add3A, %select_n3A_20 : i32
    %ne3A_22 = arith.constant 0 : i32
    %ne3A_23 = arith.cmpi ne, %rem3A_21, %ne3A_22 : i32
    %lt3A = arith.constant 0 : i32
    %lt3A_24 = arith.cmpi slt, %rem3A_21, %lt3A : i32
    %lt3A_25 = arith.constant 0 : i32
    %lt3A_26 = arith.cmpi slt, %select_n3A_20, %lt3A_25 : i32
    %ne3A_27 = arith.xori %lt3A_24, %lt3A_26 : i1
    %and3A_28 = arith.andi %ne3A_27, %ne3A_23 : i1
    %add3A_29 = arith.addi %rem3A_21, %select_n3A_20 : i32
    %select_n3A_30 = arith.select %and3A_28, %add3A_29, %rem3A_21 : i32
    %dma_start3A = arith.constant 0 : i32
    %dma_start3A_31 = tpu.memref_slice %arg6[%add3A, %dma_start3A] : memref<32x4xi32, #tpu.memory_space<hbm>> -> memref<1x4xi32, #tpu.memory_space<hbm>>
    %dma_start3A_32 = tpu.memref_squeeze %dma_start3A_31 : memref<1x4xi32, #tpu.memory_space<hbm>> -> memref<4xi32, #tpu.memory_space<hbm>>
    %dma_start3A_33 = arith.constant 0 : i32
    %dma_start3A_34 = tpu.memref_slice %arg6[%add3A, %dma_start3A_33] : memref<32x4xi32, #tpu.memory_space<hbm>> -> memref<1x4xi32, #tpu.memory_space<hbm>>
    %dma_start3A_35 = tpu.memref_squeeze %dma_start3A_34 : memref<1x4xi32, #tpu.memory_space<hbm>> -> memref<4xi32, #tpu.memory_space<hbm>>
    tpu.enqueue_dma source(%dma_start3A_35 : memref<4xi32, #tpu.memory_space<hbm>>) target(%arg9 : memref<4xi32, #tpu.memory_space<vmem>>) target_semaphore(%arg11 : memref<!tpu.dma_semaphore, #tpu.memory_space<semaphore_mem>>)
    %eq3A_36 = arith.constant 0 : i32
    %eq3A_37 = arith.cmpi eq, %select_n3A, %eq3A_36 : i32
    %convert_element_type3A = arith.extui %eq3A_37 : i1 to i32
    %cond3A = arith.constant 0 : i32
    %cond3A_38 = arith.cmpi ne, %convert_element_type3A, %cond3A : i32
    scf.if %cond3A_38 {
      %dma_start3A_67 = arith.constant 0 : i32
      %dma_start3A_68 = arith.constant 0 : i32
      %dma_start3A_69 = arith.constant 0 : i32
      %dma_start3A_70 = tpu.memref_slice %arg2[%select_n3A_30, %dma_start3A_67, %dma_start3A_68, %dma_start3A_69] : memref<8x4x1x128xf32, #tpu.memory_space<hbm>> -> memref<1x4x1x128xf32, #tpu.memory_space<hbm>>
      %dma_start3A_71 = tpu.memref_squeeze %dma_start3A_70 : memref<1x4x1x128xf32, #tpu.memory_space<hbm>> -> memref<4x1x128xf32, #tpu.memory_space<hbm>>
      %dma_start3A_72 = arith.constant 0 : i32
      %dma_start3A_73 = arith.constant 0 : i32
      %dma_start3A_74 = arith.constant 0 : i32
      %dma_start3A_75 = tpu.memref_slice %arg2[%select_n3A_30, %dma_start3A_72, %dma_start3A_73, %dma_start3A_74] : memref<8x4x1x128xf32, #tpu.memory_space<hbm>> -> memref<1x4x1x128xf32, #tpu.memory_space<hbm>>
      %dma_start3A_76 = tpu.memref_squeeze %dma_start3A_75 : memref<1x4x1x128xf32, #tpu.memory_space<hbm>> -> memref<4x1x128xf32, #tpu.memory_space<hbm>>
      tpu.enqueue_dma source(%dma_start3A_76 : memref<4x1x128xf32, #tpu.memory_space<hbm>>) target(%arg10 : memref<4x1x128xf32, #tpu.memory_space<vmem>>) target_semaphore(%arg12 : memref<!tpu.dma_semaphore, #tpu.memory_space<semaphore_mem>>)
      %dma_wait3A_77 = arith.constant 0 : i32
      %dma_wait3A_78 = arith.constant 0 : i32
      %dma_wait3A_79 = arith.constant 0 : i32
      %dma_wait3A_80 = tpu.memref_slice %arg2[%select_n3A_30, %dma_wait3A_77, %dma_wait3A_78, %dma_wait3A_79] : memref<8x4x1x128xf32, #tpu.memory_space<hbm>> -> memref<1x4x1x128xf32, #tpu.memory_space<hbm>>
      %dma_wait3A_81 = tpu.memref_squeeze %dma_wait3A_80 : memref<1x4x1x128xf32, #tpu.memory_space<hbm>> -> memref<4x1x128xf32, #tpu.memory_space<hbm>>
      %dma_wait3A_82 = arith.constant 0 : i32
      %dma_wait3A_83 = arith.constant 0 : i32
      %dma_wait3A_84 = arith.constant 0 : i32
      %dma_wait3A_85 = tpu.memref_slice %arg2[%select_n3A_30, %dma_wait3A_82, %dma_wait3A_83, %dma_wait3A_84] : memref<8x4x1x128xf32, #tpu.memory_space<hbm>> -> memref<1x4x1x128xf32, #tpu.memory_space<hbm>>
      %dma_wait3A_86 = tpu.memref_squeeze %dma_wait3A_85 : memref<1x4x1x128xf32, #tpu.memory_space<hbm>> -> memref<4x1x128xf32, #tpu.memory_space<hbm>>
      tpu.wait_dma2 semaphore(%arg12 : memref<!tpu.dma_semaphore, #tpu.memory_space<semaphore_mem>>) src(%dma_wait3A_86 : memref<4x1x128xf32, #tpu.memory_space<hbm>>) dst(%arg10 : memref<4x1x128xf32, #tpu.memory_space<vmem>>)
    } else {
    }
    %eq3A_39 = arith.constant 1 : i32
    %eq3A_40 = arith.cmpi eq, %select_n3A, %eq3A_39 : i32
    %convert_element_type3A_41 = arith.extui %eq3A_40 : i1 to i32
    %cond3A_42 = arith.constant 0 : i32
    %cond3A_43 = arith.cmpi ne, %convert_element_type3A_41, %cond3A_42 : i32
    scf.if %cond3A_43 {
      %dma_start3A_67 = arith.constant 0 : i32
      %dma_start3A_68 = arith.constant 0 : i32
      %dma_start3A_69 = arith.constant 0 : i32
      %dma_start3A_70 = tpu.memref_slice %arg3[%select_n3A_30, %dma_start3A_67, %dma_start3A_68, %dma_start3A_69] : memref<8x4x1x128xf32, #tpu.memory_space<hbm>> -> memref<1x4x1x128xf32, #tpu.memory_space<hbm>>
      %dma_start3A_71 = tpu.memref_squeeze %dma_start3A_70 : memref<1x4x1x128xf32, #tpu.memory_space<hbm>> -> memref<4x1x128xf32, #tpu.memory_space<hbm>>
      %dma_start3A_72 = arith.constant 0 : i32
      %dma_start3A_73 = arith.constant 0 : i32
      %dma_start3A_74 = arith.constant 0 : i32
      %dma_start3A_75 = tpu.memref_slice %arg3[%select_n3A_30, %dma_start3A_72, %dma_start3A_73, %dma_start3A_74] : memref<8x4x1x128xf32, #tpu.memory_space<hbm>> -> memref<1x4x1x128xf32, #tpu.memory_space<hbm>>
      %dma_start3A_76 = tpu.memref_squeeze %dma_start3A_75 : memref<1x4x1x128xf32, #tpu.memory_space<hbm>> -> memref<4x1x128xf32, #tpu.memory_space<hbm>>
      tpu.enqueue_dma source(%dma_start3A_76 : memref<4x1x128xf32, #tpu.memory_space<hbm>>) target(%arg10 : memref<4x1x128xf32, #tpu.memory_space<vmem>>) target_semaphore(%arg12 : memref<!tpu.dma_semaphore, #tpu.memory_space<semaphore_mem>>)
      %dma_wait3A_77 = arith.constant 0 : i32
      %dma_wait3A_78 = arith.constant 0 : i32
      %dma_wait3A_79 = arith.constant 0 : i32
      %dma_wait3A_80 = tpu.memref_slice %arg3[%select_n3A_30, %dma_wait3A_77, %dma_wait3A_78, %dma_wait3A_79] : memref<8x4x1x128xf32, #tpu.memory_space<hbm>> -> memref<1x4x1x128xf32, #tpu.memory_space<hbm>>
      %dma_wait3A_81 = tpu.memref_squeeze %dma_wait3A_80 : memref<1x4x1x128xf32, #tpu.memory_space<hbm>> -> memref<4x1x128xf32, #tpu.memory_space<hbm>>
      %dma_wait3A_82 = arith.constant 0 : i32
      %dma_wait3A_83 = arith.constant 0 : i32
      %dma_wait3A_84 = arith.constant 0 : i32
      %dma_wait3A_85 = tpu.memref_slice %arg3[%select_n3A_30, %dma_wait3A_82, %dma_wait3A_83, %dma_wait3A_84] : memref<8x4x1x128xf32, #tpu.memory_space<hbm>> -> memref<1x4x1x128xf32, #tpu.memory_space<hbm>>
      %dma_wait3A_86 = tpu.memref_squeeze %dma_wait3A_85 : memref<1x4x1x128xf32, #tpu.memory_space<hbm>> -> memref<4x1x128xf32, #tpu.memory_space<hbm>>
      tpu.wait_dma2 semaphore(%arg12 : memref<!tpu.dma_semaphore, #tpu.memory_space<semaphore_mem>>) src(%dma_wait3A_86 : memref<4x1x128xf32, #tpu.memory_space<hbm>>) dst(%arg10 : memref<4x1x128xf32, #tpu.memory_space<vmem>>)
    } else {
    }
    %eq3A_44 = arith.constant 2 : i32
    %eq3A_45 = arith.cmpi eq, %select_n3A, %eq3A_44 : i32
    %convert_element_type3A_46 = arith.extui %eq3A_45 : i1 to i32
    %cond3A_47 = arith.constant 0 : i32
    %cond3A_48 = arith.cmpi ne, %convert_element_type3A_46, %cond3A_47 : i32
    scf.if %cond3A_48 {
      %dma_start3A_67 = arith.constant 0 : i32
      %dma_start3A_68 = arith.constant 0 : i32
      %dma_start3A_69 = arith.constant 0 : i32
      %dma_start3A_70 = tpu.memref_slice %arg4[%select_n3A_30, %dma_start3A_67, %dma_start3A_68, %dma_start3A_69] : memref<8x4x1x128xf32, #tpu.memory_space<hbm>> -> memref<1x4x1x128xf32, #tpu.memory_space<hbm>>
      %dma_start3A_71 = tpu.memref_squeeze %dma_start3A_70 : memref<1x4x1x128xf32, #tpu.memory_space<hbm>> -> memref<4x1x128xf32, #tpu.memory_space<hbm>>
      %dma_start3A_72 = arith.constant 0 : i32
      %dma_start3A_73 = arith.constant 0 : i32
      %dma_start3A_74 = arith.constant 0 : i32
      %dma_start3A_75 = tpu.memref_slice %arg4[%select_n3A_30, %dma_start3A_72, %dma_start3A_73, %dma_start3A_74] : memref<8x4x1x128xf32, #tpu.memory_space<hbm>> -> memref<1x4x1x128xf32, #tpu.memory_space<hbm>>
      %dma_start3A_76 = tpu.memref_squeeze %dma_start3A_75 : memref<1x4x1x128xf32, #tpu.memory_space<hbm>> -> memref<4x1x128xf32, #tpu.memory_space<hbm>>
      tpu.enqueue_dma source(%dma_start3A_76 : memref<4x1x128xf32, #tpu.memory_space<hbm>>) target(%arg10 : memref<4x1x128xf32, #tpu.memory_space<vmem>>) target_semaphore(%arg12 : memref<!tpu.dma_semaphore, #tpu.memory_space<semaphore_mem>>)
      %dma_wait3A_77 = arith.constant 0 : i32
      %dma_wait3A_78 = arith.constant 0 : i32
      %dma_wait3A_79 = arith.constant 0 : i32
      %dma_wait3A_80 = tpu.memref_slice %arg4[%select_n3A_30, %dma_wait3A_77, %dma_wait3A_78, %dma_wait3A_79] : memref<8x4x1x128xf32, #tpu.memory_space<hbm>> -> memref<1x4x1x128xf32, #tpu.memory_space<hbm>>
      %dma_wait3A_81 = tpu.memref_squeeze %dma_wait3A_80 : memref<1x4x1x128xf32, #tpu.memory_space<hbm>> -> memref<4x1x128xf32, #tpu.memory_space<hbm>>
      %dma_wait3A_82 = arith.constant 0 : i32
      %dma_wait3A_83 = arith.constant 0 : i32
      %dma_wait3A_84 = arith.constant 0 : i32
      %dma_wait3A_85 = tpu.memref_slice %arg4[%select_n3A_30, %dma_wait3A_82, %dma_wait3A_83, %dma_wait3A_84] : memref<8x4x1x128xf32, #tpu.memory_space<hbm>> -> memref<1x4x1x128xf32, #tpu.memory_space<hbm>>
      %dma_wait3A_86 = tpu.memref_squeeze %dma_wait3A_85 : memref<1x4x1x128xf32, #tpu.memory_space<hbm>> -> memref<4x1x128xf32, #tpu.memory_space<hbm>>
      tpu.wait_dma2 semaphore(%arg12 : memref<!tpu.dma_semaphore, #tpu.memory_space<semaphore_mem>>) src(%dma_wait3A_86 : memref<4x1x128xf32, #tpu.memory_space<hbm>>) dst(%arg10 : memref<4x1x128xf32, #tpu.memory_space<vmem>>)
    } else {
    }
    %eq3A_49 = arith.constant 3 : i32
    %eq3A_50 = arith.cmpi eq, %select_n3A, %eq3A_49 : i32
    %convert_element_type3A_51 = arith.extui %eq3A_50 : i1 to i32
    %cond3A_52 = arith.constant 0 : i32
    %cond3A_53 = arith.cmpi ne, %convert_element_type3A_51, %cond3A_52 : i32
    scf.if %cond3A_53 {
      %dma_start3A_67 = arith.constant 0 : i32
      %dma_start3A_68 = arith.constant 0 : i32
      %dma_start3A_69 = arith.constant 0 : i32
      %dma_start3A_70 = tpu.memref_slice %arg5[%select_n3A_30, %dma_start3A_67, %dma_start3A_68, %dma_start3A_69] : memref<8x4x1x128xf32, #tpu.memory_space<hbm>> -> memref<1x4x1x128xf32, #tpu.memory_space<hbm>>
      %dma_start3A_71 = tpu.memref_squeeze %dma_start3A_70 : memref<1x4x1x128xf32, #tpu.memory_space<hbm>> -> memref<4x1x128xf32, #tpu.memory_space<hbm>>
      %dma_start3A_72 = arith.constant 0 : i32
      %dma_start3A_73 = arith.constant 0 : i32
      %dma_start3A_74 = arith.constant 0 : i32
      %dma_start3A_75 = tpu.memref_slice %arg5[%select_n3A_30, %dma_start3A_72, %dma_start3A_73, %dma_start3A_74] : memref<8x4x1x128xf32, #tpu.memory_space<hbm>> -> memref<1x4x1x128xf32, #tpu.memory_space<hbm>>
      %dma_start3A_76 = tpu.memref_squeeze %dma_start3A_75 : memref<1x4x1x128xf32, #tpu.memory_space<hbm>> -> memref<4x1x128xf32, #tpu.memory_space<hbm>>
      tpu.enqueue_dma source(%dma_start3A_76 : memref<4x1x128xf32, #tpu.memory_space<hbm>>) target(%arg10 : memref<4x1x128xf32, #tpu.memory_space<vmem>>) target_semaphore(%arg12 : memref<!tpu.dma_semaphore, #tpu.memory_space<semaphore_mem>>)
      %dma_wait3A_77 = arith.constant 0 : i32
      %dma_wait3A_78 = arith.constant 0 : i32
      %dma_wait3A_79 = arith.constant 0 : i32
      %dma_wait3A_80 = tpu.memref_slice %arg5[%select_n3A_30, %dma_wait3A_77, %dma_wait3A_78, %dma_wait3A_79] : memref<8x4x1x128xf32, #tpu.memory_space<hbm>> -> memref<1x4x1x128xf32, #tpu.memory_space<hbm>>
      %dma_wait3A_81 = tpu.memref_squeeze %dma_wait3A_80 : memref<1x4x1x128xf32, #tpu.memory_space<hbm>> -> memref<4x1x128xf32, #tpu.memory_space<hbm>>
      %dma_wait3A_82 = arith.constant 0 : i32
      %dma_wait3A_83 = arith.constant 0 : i32
      %dma_wait3A_84 = arith.constant 0 : i32
      %dma_wait3A_85 = tpu.memref_slice %arg5[%select_n3A_30, %dma_wait3A_82, %dma_wait3A_83, %dma_wait3A_84] : memref<8x4x1x128xf32, #tpu.memory_space<hbm>> -> memref<1x4x1x128xf32, #tpu.memory_space<hbm>>
      %dma_wait3A_86 = tpu.memref_squeeze %dma_wait3A_85 : memref<1x4x1x128xf32, #tpu.memory_space<hbm>> -> memref<4x1x128xf32, #tpu.memory_space<hbm>>
      tpu.wait_dma2 semaphore(%arg12 : memref<!tpu.dma_semaphore, #tpu.memory_space<semaphore_mem>>) src(%dma_wait3A_86 : memref<4x1x128xf32, #tpu.memory_space<hbm>>) dst(%arg10 : memref<4x1x128xf32, #tpu.memory_space<vmem>>)
    } else {
    }
    %dma_wait3A = arith.constant 0 : i32
    %dma_wait3A_54 = tpu.memref_slice %arg6[%add3A, %dma_wait3A] : memref<32x4xi32, #tpu.memory_space<hbm>> -> memref<1x4xi32, #tpu.memory_space<hbm>>
    %dma_wait3A_55 = tpu.memref_squeeze %dma_wait3A_54 : memref<1x4xi32, #tpu.memory_space<hbm>> -> memref<4xi32, #tpu.memory_space<hbm>>
    %dma_wait3A_56 = arith.constant 0 : i32
    %dma_wait3A_57 = tpu.memref_slice %arg6[%add3A, %dma_wait3A_56] : memref<32x4xi32, #tpu.memory_space<hbm>> -> memref<1x4xi32, #tpu.memory_space<hbm>>
    %dma_wait3A_58 = tpu.memref_squeeze %dma_wait3A_57 : memref<1x4xi32, #tpu.memory_space<hbm>> -> memref<4xi32, #tpu.memory_space<hbm>>
    tpu.wait_dma2 semaphore(%arg11 : memref<!tpu.dma_semaphore, #tpu.memory_space<semaphore_mem>>) src(%dma_wait3A_58 : memref<4xi32, #tpu.memory_space<hbm>>) dst(%arg9 : memref<4xi32, #tpu.memory_space<vmem>>)
    %dma_start3A_59 = arith.constant 0 : i32
    %dma_start3A_60 = arith.constant 0 : i32
    %dma_start3A_61 = arith.constant 0 : i32
    %dma_start3A_62 = tpu.memref_slice %arg7[%dma_start3A_59, %dma_start3A_60, %dma_start3A_61] : memref<262144x1x128xf32, #tpu.memory_space<hbm>> -> memref<262144x1x128xf32, #tpu.memory_space<hbm>>
    tpu.enqueue_indirect_dma source(%arg10 : memref<4x1x128xf32, #tpu.memory_space<vmem>>) target(%dma_start3A_62 : memref<262144x1x128xf32, #tpu.memory_space<hbm>>) offsets(%arg9 : memref<4xi32, #tpu.memory_space<vmem>>) semaphore(%arg12 : memref<!tpu.dma_semaphore, #tpu.memory_space<semaphore_mem>>)
    %dma_wait3A_63 = arith.constant 0 : i32
    %dma_wait3A_64 = arith.constant 0 : i32
    %dma_wait3A_65 = arith.constant 0 : i32
    %dma_wait3A_66 = tpu.memref_slice %arg7[%dma_wait3A_63, %dma_wait3A_64, %dma_wait3A_65] : memref<262144x1x128xf32, #tpu.memory_space<hbm>> -> memref<262144x1x128xf32, #tpu.memory_space<hbm>>
    tpu.wait_indirect_dma semaphore(%arg12 : memref<!tpu.dma_semaphore, #tpu.memory_space<semaphore_mem>>) src(%arg10 : memref<4x1x128xf32, #tpu.memory_space<vmem>>) dst(%dma_wait3A_66 : memref<262144x1x128xf32, #tpu.memory_space<hbm>>)
    return
  }
}

module attributes {stable_mosaic.version = 14 : i64} {
  func.func @_memset_body(%arg0: i32, %arg1: i32, %arg2: memref<4x1x1x2048x128xf32, #tpu.memory_space<vmem>>) attributes {dimension_semantics = [#tpu.dimension_semantics<arbitrary>, #tpu.dimension_semantics<arbitrary>], iteration_bounds = array<i64: 8, 4>, scalar_prefetch = 0 : i64, scratch_operands = 0 : i64, tpu.core_type = #tpu.core_type<tc>, window_params = [{transform_indices = @transform_0, window_bounds = array<i64: 4, 1, 1, 2048, 128>}]} {
    %broadcast_in_dim3A = arith.constant 0.000000e+00 : f32
    %broadcast_in_dim3A_0 = vector.broadcast %broadcast_in_dim3A : f32 to vector<4x1x1x2048x128xf32>
    %swap3A = arith.constant 0 : index
    %swap3A_1 = arith.constant 0 : index
    %swap3A_2 = arith.constant 0 : index
    %swap3A_3 = arith.constant 0 : index
    %swap3A_4 = arith.constant 0 : index
    %swap3A_5 = vector.load %arg2[%swap3A, %swap3A_1, %swap3A_2, %swap3A_3, %swap3A_4] : memref<4x1x1x2048x128xf32, #tpu.memory_space<vmem>>, vector<4x1x1x2048x128xf32>
    tpu.vector_store %arg2[%swap3A, %swap3A_1, %swap3A_2, %swap3A_3, %swap3A_4], %broadcast_in_dim3A_0 {strides = array<i32>} : memref<4x1x1x2048x128xf32, #tpu.memory_space<vmem>>, vector<4x1x1x2048x128xf32>,
    return
  }
  func.func @transform_0(%arg0: i32, %arg1: i32) -> (i32, i32, i32, i32, i32) {
    %c0_i32 = arith.constant 0 : i32
    %c0_i32_0 = arith.constant 0 : i32
    %c0_i32_1 = arith.constant 0 : i32
    %c0_i32_2 = arith.constant 0 : i32
    return %c0_i32, %arg0, %arg1, %c0_i32_0, %c0_i32_1 : i32, i32, i32, i32, i32
  }
}

</mosaic_0001>

<sc_bundles>
// kernel: kernel.4.cloned.1.call-start
scs
__scs_entry_jumppad:
0x0: {  	(pc) =	sbr.rel $0x88, $3  }
0x1: {  	(tag) =	ssettag $0x0;
	lr =	simm.s32 $0x1  }
0x2: {  	[smem:$0x3F9C] =	sst lr;
	_ =	strace $0xD0000000  }
0x3: {  	_ = 	snop  }
0x4: {  	_ = 	snop  }
0x5: {  	_ = 	snop  }
0x6: {  	_ = 	snop  }
0x7: {  	_ = 	snop  }
__scs_overlays_trampoline_lowered:
0x8: {  	[smem:$0x3FAB] =	sst s0  }
0x9: {  	[smem:$0x3FAC] =	sst s1  }
0xa: {  	[smem:$0x3FAD] =	sst s2  }
0xb: {  	[smem:$0x3FAE] =	sst s3  }
0xc: {  	[smem:$0x3FAF] =	sst s4  }
0xd: {  	[smem:$0x3FB0] =	sst s5  }
0xe: {  	[smem:$0x3FB1] =	sst s6  }
0xf: {  	[smem:$0x3FB2] =	sst s7  }
0x10: {  	[smem:$0x3FB3] =	sst s8  }
0x11: {  	[smem:$0x3FB4] =	sst s9;
	s0 =	simm.s32 @!p0 $0x0  }
0x12: {  	s1 =	sld [smem:$0x3F9A];
	s0 =	simm.s32 @p0 $0x1  }
0x13: {  	[smem:$0x3FB5] =	sst s0;
	s0 =	simm.s32 @!p1 $0x0  }
0x14: {  	s2 =	sld [smem:$0x3F99];
	s0 =	simm.s32 @p1 $0x1  }
0x15: {  	[smem:$0x3FB6] =	sst s0;
	s0 =	simm.s32 @!p2 $0x0  }
0x16: {  	s3 =	sld [smem:$0x3FDB];
	s0 =	simm.s32 @p2 $0x1  }
0x17: {  	s4 =	simm.s32 $0x1BF5;
	[smem:$0x3FB8] =	sst s0  }
0x18: {  	s0 =	sld [smem:$0x3F9B];
	_ =	swait.ge [sflag:s4], $0x0  }
0x19: {  	s7 =	sld [smem:$0x3F9C]  }
0x1a: {  	s8 =	sadd.s32 $0xFFFFE003, lr  }
0x1b: {  	s9 =	sadd.s32 $0xFFFFFEF7, lr;
	s5 =	simm.s32 $0xFFFFFFFF;
	p2 =	slt.u32 s8, $0xFFFFF086  }
0x1c: {  	p1 =	slt.u32 s9, $0xF7A;
	s5 =	simm.s32 @!p2 $0x0  }
0x1d: {  	s5 =	simm.s32 @p1 $0x1;
	p0 =	seq.s32 s7, s2  }
0x1e: {  	s7 =	smul.u32 @!p0 $0xF7A, s2;
	p2 =	seq.s32 @!p0 s5, $0x0  }
0x1f: {  	s9 =	smul.u32 $0xF7A, s1;
	s8 =	simm.s32 @!p0 $0x1BF5;
	p2 =	por !p2, p0  }
0x20: {  	[sflag:s8] =	ssyncset.s32 @!p0 $0xFFFFF086;
	s6 =	sadd.s32 @!p0 s3, s7;
	s7 =	simm.s32 @!p0 $0x108  }
0x21: {  	s3 =	sadd.s32 s3, s9;
	s6 =	sadd.s32 @!p0 $0x88, s6;
	s7 =	simm.s32 @p2 $0x1082  }
0x22: {  	[simem:s7], [sflag:s8] =	dma.local @!p0 [hbm:s6], $0xF7A  }
0x23: {  	s9 =	sor.u32 $0xD0000000, s2;
	s6 =	simm.s32 $0x108;
	_ =	swait.ge @!p0 [sflag:s8], $0x0  }
0x24: {  	s3 =	sadd.s32 $0x88, s3;
	s6 =	simm.s32 @!p1 $0x1082;
	[sflag:s4] =	ssyncset.s32 $0xFFFFF086  }
0x25: {  	[simem:s6], [sflag:s4] =	dma.local [hbm:s3], $0xF7A  }
0x26: {  	[smem:$0x3F9C] =	sst s1;
	(tag) =	ssettag s2;
	_ =	strace s9  }
0x27: {  	s1 =	sld [smem:$0x3FAC]  }
0x28: {  	s2 =	sld [smem:$0x3FAD]  }
0x29: {  	s4 =	sld [smem:$0x3FAF]  }
0x2a: {  	p0 =	seq.s32 s5, $0x0;
	s5 =	sld [smem:$0x3FB0]  }
0x2b: {  	s6 =	sld [smem:$0x3FB1]  }
0x2c: {  	s7 =	sld [smem:$0x3FB2]  }
0x2d: {  	s3 =	simm.s32 $0x108;
	s8 =	sld [smem:$0x3FB3]  }
0x2e: {  	s3 =	simm.s32 @!p0 $0x1082;
	s9 =	sld [smem:$0x3FB4]  }
0x2f: {  	lr =	sadd.s32 s0, s3;
	s0 =	sld [smem:$0x3FAB]  }
0x30: {  	s3 =	sld [smem:$0x3FAE]  }
0x31: {  	[smem:$0x3FB7] =	sst s10  }
0x32: {  	s10 =	sld [smem:$0x3FB5];
	_ =	sdelay $0x3  }
0x33: {  	p0 =	seq.s32 s10, $0x1;
	s10 =	sld [smem:$0x3FB7];
	_ =	sdelay $0x3  }
0x34: {  	[smem:$0x3FB7] =	sst s10  }
0x35: {  	s10 =	sld [smem:$0x3FB6];
	_ =	sdelay $0x3  }
0x36: {  	p1 =	seq.s32 s10, $0x1;
	s10 =	sld [smem:$0x3FB7];
	_ =	sdelay $0x3  }
0x37: {  	[smem:$0x3FB7] =	sst s10  }
0x38: {  	s10 =	sld [smem:$0x3FB8]  }
0x39: {  	_ = 	snop;
	(pc) =	sbr.ind lr, $3  }
0x3a: {  	_ = 	snop  }
0x3b: {  	_ = 	snop  }
0x3c: {  	p2 =	seq.s32 s10, $0x1;
	s10 =	sld [smem:$0x3FB7]  }
0x3d: {  	_ =	shalt  }
0x3e: {  	_ =	shalt  }
0x3f: {  	_ =	shalt  }
0x40: {  	_ =	shalt  }
0x41: {  	_ =	shalt  }
0x42: {  	_ =	shalt  }
0x43: {  	_ =	shalt  }
0x44: {  	_ =	shalt  }
0x45: {  	_ =	shalt  }
0x46: {  	_ =	shalt  }
0x47: {  	_ =	shalt  }
0x48: {  	_ =	shalt  }
0x49: {  	_ =	shalt  }
0x4a: {  	_ =	shalt  }
0x4b: {  	_ =	shalt  }
0x4c: {  	_ =	shalt  }
0x4d: {  	_ =	shalt  }
0x4e: {  	_ =	shalt  }
0x4f: {  	_ =	shalt  }
0x50: {  	_ =	shalt  }
0x51: {  	_ =	shalt  }
0x52: {  	_ =	shalt  }
0x53: {  	_ =	shalt  }
0x54: {  	_ =	shalt  }
0x55: {  	_ =	shalt  }
0x56: {  	_ =	shalt  }
0x57: {  	_ =	shalt  }
0x58: {  	_ =	shalt  }
0x59: {  	_ =	shalt  }
0x5a: {  	_ =	shalt  }
0x5b: {  	_ =	shalt  }
0x5c: {  	_ =	shalt  }
0x5d: {  	_ =	shalt  }
0x5e: {  	_ =	shalt  }
0x5f: {  	_ =	shalt  }
0x60: {  	_ =	shalt  }
0x61: {  	_ =	shalt  }
0x62: {  	_ =	shalt  }
0x63: {  	_ =	shalt  }
0x64: {  	_ =	shalt  }
0x65: {  	_ =	shalt  }
0x66: {  	_ =	shalt  }
0x67: {  	_ =	shalt  }
0x68: {  	_ =	shalt  }
0x69: {  	_ =	shalt  }
0x6a: {  	_ =	shalt  }
0x6b: {  	_ =	shalt  }
0x6c: {  	_ =	shalt  }
0x6d: {  	_ =	shalt  }
0x6e: {  	_ =	shalt  }
0x6f: {  	_ =	shalt  }
0x70: {  	_ =	shalt  }
0x71: {  	_ =	shalt  }
0x72: {  	_ =	shalt  }
0x73: {  	_ =	shalt  }
0x74: {  	_ =	shalt  }
0x75: {  	_ =	shalt  }
0x76: {  	_ =	shalt  }
0x77: {  	_ =	shalt  }
0x78: {  	_ =	shalt  }
0x79: {  	_ =	shalt  }
0x7a: {  	_ =	shalt  }
0x7b: {  	_ =	shalt  }
0x7c: {  	_ =	shalt  }
0x7d: {  	_ =	shalt  }
0x7e: {  	_ =	shalt  }
0x7f: {  	_ =	shalt  }
0x80: {  	_ =	shalt  }
0x81: {  	_ =	shalt  }
0x82: {  	_ =	shalt  }
0x83: {  	_ =	shalt  }
0x84: {  	_ =	shalt  }
0x85: {  	_ =	shalt  }
0x86: {  	_ =	shalt  }
0x87: {  	_ =	shalt  }
.Lfunc_end0:
.L_simem_size_0:
called_computation_lowered:
.L_overlay_start_0:
0x88: {  	s2 =	sld [smem:$0x3FD9]  }
0x89: {  	s3 =	sld [smem:$0x3FFE];
	_ =	sdelay $0x1  }
0x8a: {  	s1 =	srdreg.scid  }
0x8b: {  	s0 =	sand.u32 $0x1, s1  }
0x8c: {  	s17 =	sshll.u32 s0, $0xA;
	s2 =	sadd.s32 s3, s2  }
0x8d: {  	s2 =	sadd.s32 s2, s17  }
0x8e: {  	[smem:$0x3FC3] =	sst s2  }
0x8f: {  	_ = 	snop  }
0x90: {  	s2 =	sld [smem:$0x3FC9]  }
0x91: {  	s18 =	sld [smem:$0x3FC8]  }
0x92: {  	s4 =	sld [smem:$0x3FC7]  }
0x93: {  	s5 =	sld [smem:$0x3FC6]  }
0x94: {  	s6 =	sld [smem:$0x3FD0];
	(tm) =	ssettm $0x1  }
0x95: {  	s7 =	sld [smem:$0x3FFB];
	_ =	sdelay $0x3  }
0x96: {  	_ =	strace s7  }
0x97: {  	s7 =	sld [smem:$0x3FFC];
	_ =	sdelay $0x3  }
0x98: {  	_ =	strace s7  }
0x99: {  	s7 =	sld [smem:$0x3FFD];
	_ =	sdelay $0x3  }
0x9a: {  	_ =	strace s7  }
0x9b: {  	_ =	strace $0x8FFFFFFF  }
0x9c: {  	s19 =	sld [smem:$0x3FDB];
	_ =	sdelay $0x1  }
0x9d: {  	s8 =	simm.s32 $_scs_section_size  }
0x9e: {  	s9 =	simm.s32 $_size__tile_overlayer_lowered;
	s10 =	simm.s32 $_tile_overlayer_lowered  }
0x9f: {  	s22 =	simm.s32 $0x1BFF;
	s21 =	sshll.u32 s10, $0x1;
	s7 =	sadd.s32 s8, s19  }
0xa0: {  	s11 =	simm.s32 $0x0;
	s20 =	sshll.u32 s9, $0x1;
	s9 =	sadd.s32 s21, s7  }
0xa1: {  	[timem:s11], [sflag:s22] =	dma.local [hbm:s9], s20  }
0xa2: {  	_ =	swait.ge [sflag:s22], s20  }
0xa3: {  	s8 =	ssub.s32 $0x0, s20;
	[sflag:s22] =	ssyncset.done $0x0  }
0xa4: {  	[sflag:s22] =	ssyncadd.s32 s8;
	_ =	sdelay $0x1  }
0xa5: {  	s23 =	simm.s32 $0x1B8B  }
0xa6: {  	_ =	swait.ge [sflag:s23], $0x1  }
0xa7: {  	[sflag:s23] =	ssyncset.done $0x0  }
0xa8: {  	s25 =	simm.s32 $0x1B8E;
	s24 =	sld [smem:$0x3FFE];
	[sflag:s23] =	ssyncadd.s32 $0xFFFFFFFF  }
0xa9: {  	s26 =	simm.s32 $execute0_lowered;
	[smem:$0x3FD2] =	sst s25  }
0xaa: {  	s9 =	sshll.u32 s26, $0x1;
	_ =	strace $0x80000046;
	[dreg:$0x1] =	wrdreg $0xFFFFFFFF  }
0xab: {  	s28 =	simm.s32 $_size_execute0_lowered;
	s7 =	sadd.s32 s7, s9;
	[dreg:$0x0] =	wrdreg $0x0  }
0xac: {  	s9 =	sshll.u32 s28, $0x1;
	[dreg:$0x2] =	wrdreg s7  }
0xad: {  	[dreg:$0x3] =	wrdreg s9  }
0xae: {  	[dreg:$0x4] =	wrdreg $0xC0  }
0xaf: {  	_ =	task [dreg:s11], $0x5FFFF  }
0xb0: {  	[dreg:$0x1] =	wrdreg $0xFFFFFFFF  }
0xb1: {  	[dreg:$0x0] =	wrdreg $0x60  }
0xb2: {  	[dreg:$0x2] =	wrdreg s2  }
0xb3: {  	[dreg:$0x3] =	wrdreg s18  }
0xb4: {  	[dreg:$0x4] =	wrdreg s4  }
0xb5: {  	[dreg:$0x5] =	wrdreg s5  }
0xb6: {  	[dreg:$0x6] =	wrdreg s24  }
0xb7: {  	[dreg:$0x7] =	wrdreg s6  }
0xb8: {  	[dreg:$0x8] =	wrdreg $0x9  }
0xb9: {  	_ =	task.clear_ibuf [dreg:s11], $0x9FFFF;
	_ =	strace $0x90000046  }
0xba: {  	s29 =	simm.s32 $0x9;
	_ =	strace $0x80000048  }
0xbb: {  	_ =	swait.ge [sflag:s29], $0x1  }
0xbc: {  	[sflag:s29] =	ssyncadd.s32 $0xFFFFFFFF  }
0xbd: {  	_ =	strace $0x90000048  }
0xbe: {  	_ =	sfence  }
0xbf: {  	s30 =	sld [smem:$0x0];
	_ =	sdelay $0x2  }
0xc0: {  	s31 =	sshll.u32 s1, $0xD;
	s1 =	sshrl.u32 s1, $0x2  }
0xc1: {  	s3 =	sand.u32 $0x4000, s31;
	s1 =	sadd.s32 s1, s30  }
0xc2: {  	s0 =	sor.u32 s3, s0;
	s1 =	sshll.u32 s1, $0x11  }
0xc3: {  	s0 =	sor.u32 s1, s0  }
0xc4: {  	s0 =	sadd.s32 $0x8F2B, s0  }
0xc5: {  	[sflag:s0] =	ssyncadd.remote.s32 $0x1  }
0xc6: {  	_ =	sfence.sel $0xFFFF  }
0xc7: {  	[dreg:$0x0] =	wrdreg $0xFFFFFFFF;
	(pc) =	sbr.abs _section_cstart, $3  }
0xc8: {  	[dreg:$0x1] =	wrdreg $0xFFFFFFFF  }
0xc9: {  	_ =	task.clear_ibuf [dreg:s11], $0x2FFFF;
	_ =	strace $0x9FFFFFFF  }
0xca: {  	(tm) =	ssettm $0x7FFFFFFF  }
0xcb: {  	_ =	shalt  }
tec
execute0_lowered:
.L_overlay_start_1:
0x0: {  	(tag) =	ssettag $0x1  }
0x1: {  	s6 =	rddreg [dreg:$0x0]  }
0x2: {  	s4 =	rddreg [dreg:$0x1]  }
0x3: {  	s5 =	rddreg [dreg:$0x2]  }
0x4: {  	s7 =	rddreg [dreg:$0x3]  }
0x5: {  	s8 =	rddreg [dreg:$0x4]  }
0x6: {  	s2 =	rddreg [dreg:$0x5]  }
0x7: {  	s0 =	stileid.u32;
	s1 =	rddreg [dreg:$0x6]  }
0x8: {  	s3 =	simm.s32 $0x0;
	s10 =	srdreg.scid;
	s9 =	sshrl.u32 s0, $0x2  }
0x9: {  	[smem:$0x7FF] =	sst s3;
	s10 =	sand.u32 $0x1, s10;
	s11 =	sshll.u32 s0, $0x1  }
0xa: {  	p0 =	sgt.s32 s9, $0x1;
	_ =	strace $0x80000047;
	s11 =	sor.u32 s10, s11  }
0xb: {  	s10 =	ssub.s32 $0x2, s10;
	p1 =	seq.s32 @p0 s9, $0x2;
	s28 =	sshll.u32 s11, $0x4  }
0xc: {  	s29 =	sshrl.u32 s10, $0x1;
	s30 =	sshll.u32 s11, $0x6;
	p1 =	por !p1, !p0  }
0xd: {  	s31 =	sand.u32 $0x1C0, s30;
	s5 =	smov.u32 @p1 s7;
	p1 =	seq.s32 @!p0 s9, $0x0  }
0xe: {  	s7 =	sadd.s32 s28, s8;
	s8 =	ssub.s32 s10, s29;
	p1 =	por !p1, p0  }
0xf: {  	s9 =	simm.s32 $0x1;
	s10 =	simm.s32 $0x4;
	s6 =	smov.u32 @p1 s4  }
0x10: {  	s4 =	sadd.s32 $0x800, s7;
	s7 =	simm.s32 $0x80;
	s6 =	smov.u32 @p0 s5  }
0x11: {  	s5 =	smax.u32 s8, $0x1;
	s8 =	simm.s32 $0x2;
	s6 =	sadd.s32 s6, s31  }
.LBB2_1:
0x12: {  	[tilespmem:s3], [sflag:$0x1] =	stream.linear.gather [hbm4b:s4+s3], $0x80, $0x38;
	[tilespmem:$0x280] =	vst v63  }
0x13: {  	_ = 	snop  }
0x14: {  	[tilespmem:s7], [sflag:$0x2] =	stream.linear.gather [hbm4b:s6+s3], $0x200, $0x38;
	[tilespmem:$0x280] =	vst v63  }
0x15: {  	_ =	swait.ge [sflag:s8], $0x200  }
0x16: {  	[sflag:s8] =	ssyncset.done $0x0  }
0x17: {  	[sflag:s8] =	ssyncadd.s32 $0xFFFFFE00  }
0x18: {  	s5 =	sadd.s32 $0xFFFFFFFF, s5;
	_ =	swait.ge [sflag:s9], $0x80  }
0x19: {  	p0 =	sne.s32 s5, $0x0;
	[sflag:s9] =	ssyncset.done $0x0  }
.Ltmp0:
0x1a: {  	[sflag:s9] =	ssyncadd.s32 $0xFFFFFF80;
	(pc) =	sbr.rel @p0 .LBB2_1-.Ltmp0, $4  }
0x1b: {  	[hbm4b:s2+s10] =	stream.indirect.scatter [tilespmem:s7], [sflag:$0x2], $0x80, s3, s10, $0xb8;
	[tilespmem:$0x280] =	vst v63  }
0x1c: {  	_ =	swait.ge [sflag:s8], $0x200  }
0x1d: {  	[sflag:s8] =	ssyncset.done $0x0  }
0x1e: {  	[sflag:s8] =	ssyncadd.s32 $0xFFFFFE00  }
0x1f: {  	_ =	sfence.sel $0x180000  }
0x20: {  	[bflag:$0x0] =	sbarrier.arrive $0xFFFF  }
0x21: {  	p0 =	sne.s32 s0, $0x0;
	_ =	strace $0x90000047  }
0x22: {  	s0 =	sadd.s32 @!p0 $0x100000, s1;
	[bflag:$0x2] =	sbarrier.arrive $0xFFFF  }
0x23: {  	[sflag:s0] =	ssyncadd.tile.s32 @!p0 $0x1;
	_ =	shalt  }
.Lfunc_end2:
_tile_overlayer_lowered:
.L_overlay_start_2:
0x24: {  	(tag) =	ssettag $0x2  }
0x25: {  	s0 =	rddreg [dreg:$0x0];
	s2 =	stileid.u32  }
0x26: {  	s1 =	rddreg [dreg:$0x1];
	p0 =	sne.s32 s2, $0x0  }
0x27: {  	s3 =	rddreg [dreg:$0x2];
	[bflag:$0x3] =	sbarrier.arrive $0xFFFF;
	s2 =	simm.s32 @!p0 $0x1C03  }
0x28: {  	[timem:s3], [sflag:s2] =	dma.local @!p0 [hbm:s0], s1  }
0x29: {  	s0 =	simm.s32 @!p0 $0x3  }
0x2a: {  	_ =	swait.ge @!p0 [sflag:s0], s1  }
0x2b: {  	s1 =	ssub.s32 @!p0 $0x0, s1;
	[sflag:s0] =	ssyncset.done @!p0 $0x0  }
0x2c: {  	[sflag:s0] =	ssyncadd.s32 @!p0 s1  }
0x2d: {  	[bflag:$0x3] =	sbarrier.arrive $0xFFFF  }
0x2e: {  	_ =	shalt  }

</sc_bundles>
